<compile_context>
chip_gen: v7x
topology: tpu7x:2x2x1
jax: 0.10.2.dev20260603
libtpu: 0.0.44.dev20260713+nightly
codegen_flags: <defaults>
</compile_context>

<pallas_src>
import jax
import jax.numpy as jnp
from jax import lax
from jax.experimental import pallas as pl
from jax.experimental.pallas import tpu as pltpu
from jax.experimental.pallas import tpu_sc as plsc

_NC = 2
_NS = 16
_NW = _NC * _NS

_BATCH = 16384
_EMBED = 64
_ROW = 2 * _EMBED
_B_PER_W = _BATCH // _NW
_CHUNK = 256
_N_CHUNKS = _B_PER_W // _CHUNK
_LANES = 16


def _sc_gather_body(user_idx_hbm, movie_idx_hbm, table_hbm, x_hbm,
                    uidx_v, midx_v, xbuf_v, mbuf_v, sem_u, sem_m):
    wid = lax.axis_index("s") * _NC + lax.axis_index("c")
    base = wid * _B_PER_W
    pltpu.sync_copy(user_idx_hbm.at[pl.ds(base, _B_PER_W)], uidx_v)
    pltpu.sync_copy(movie_idx_hbm.at[pl.ds(base, _B_PER_W)], midx_v)
    for ch in range(_N_CHUNKS):
        off = ch * _CHUNK
        cp_u = pltpu.async_copy(table_hbm.at[uidx_v.at[pl.ds(off, _CHUNK)]],
                                xbuf_v, sem_u)
        cp_m = pltpu.async_copy(table_hbm.at[midx_v.at[pl.ds(off, _CHUNK)]],
                                mbuf_v, sem_m)
        cp_u.wait()
        cp_m.wait()

        def move_row(r, _):
            for c in range(_EMBED // _LANES):
                col = _EMBED + c * _LANES
                xbuf_v[r, pl.ds(col, _LANES)] = mbuf_v[r, pl.ds(col, _LANES)]
            return 0

        lax.fori_loop(0, _CHUNK, move_row, 0)
        pltpu.sync_copy(xbuf_v, x_hbm.at[pl.ds(base + off, _CHUNK)])


def _sc_gather(user_idx, movie_idx, table):
    mesh = plsc.VectorSubcoreMesh(core_axis_name="c", subcore_axis_name="s",
                                  num_cores=_NC, num_subcores=_NS)
    return pl.kernel(
        _sc_gather_body,
        out_type=jax.ShapeDtypeStruct((_BATCH, _ROW), jnp.float32),
        mesh=mesh,
        scratch_types=[
            pltpu.VMEM((_B_PER_W,), jnp.int32),
            pltpu.VMEM((_B_PER_W,), jnp.int32),
            pltpu.VMEM((_CHUNK, _ROW), jnp.float32),
            pltpu.VMEM((_CHUNK, _ROW), jnp.float32),
            pltpu.SemaphoreType.DMA,
            pltpu.SemaphoreType.DMA,
        ],
    )(user_idx, movie_idx, table)


def _mlp_body(x_ref, w1_ref, b1_ref, w2_ref, b2_ref, out_ref):
    x = x_ref[...]
    w1 = w1_ref[...]
    dn = (((1,), (1,)), ((), ()))
    h = lax.dot_general(x, w1, dn, preferred_element_type=jnp.float32)
    h = jnp.maximum(h + b1_ref[...], 0.0)
    y = jnp.sum(h * w2_ref[...], axis=1) + b2_ref[0, 0]
    out_ref[...] = y


def _mlp(x, W1, b1, W2, b2):
    BR = 4096
    grid = (_BATCH // BR,)
    return pl.pallas_call(
        _mlp_body,
        grid=grid,
        in_specs=[
            pl.BlockSpec((BR, _ROW), lambda i: (i, 0)),
            pl.BlockSpec((128, _ROW), lambda i: (0, 0)),
            pl.BlockSpec((1, 128), lambda i: (0, 0)),
            pl.BlockSpec((1, 128), lambda i: (0, 0)),
            pl.BlockSpec((1, 1), lambda i: (0, 0)),
        ],
        out_specs=pl.BlockSpec((BR,), lambda i: (i,)),
        out_shape=jax.ShapeDtypeStruct((_BATCH,), jnp.float32),
    )(x, W1, b1.reshape(1, 128), W2, b2.reshape(1, 1))


@jax.jit
def kernel(user, movie, user_table, movie_table, W1, b1, W2, b2):
    table = jnp.concatenate([user_table, movie_table], axis=1)
    x = _sc_gather(user, movie, table)
    return _mlp(x, W1, b1, W2, b2)

# --- scband reference (transcript-rebuilt; emitter-appended) ---
"""Pipeline reference for scband-recommender-model-28243704938637 (READ-ONLY COPY).

The authoritative reference and input builder live on the scoring server;
editing this copy changes nothing except your own understanding.
"""

import jax, jax.numpy as jnp
import numpy as np

NUM_USERS = 100000
NUM_MOVIES = 100000
EMBED_DIM = 64
BATCH = 16384

def setup_inputs(seed: int = 0) -> dict:
    key = jax.random.key(seed)
    k1, k2, k3, k4, k5, k6, k7, k8 = jax.random.split(key, 8)
    user = jax.random.randint(k1, (BATCH,), 0, NUM_USERS)
    movie = jax.random.randint(k2, (BATCH,), 0, NUM_MOVIES)
    user_table = jax.random.normal(k3, (NUM_USERS + 1, EMBED_DIM), dtype=jnp.float32)
    movie_table = jax.random.normal(k4, (NUM_MOVIES + 1, EMBED_DIM), dtype=jnp.float32)
    W1 = jax.random.normal(k5, (128, EMBED_DIM * 2), dtype=jnp.float32) * 0.05
    b1 = jax.random.normal(k6, (128,), dtype=jnp.float32) * 0.05
    W2 = jax.random.normal(k7, (1, 128), dtype=jnp.float32) * 0.05
    b2 = jax.random.normal(k8, (1,), dtype=jnp.float32) * 0.05
    return {"user": user, "movie": movie, "user_table": user_table, "movie_table": movie_table, "W1": W1, "b1": b1, "W2": W2, "b2": b2}

def reference(user, movie, user_table, movie_table, W1, b1, W2, b2):
    user_vec = jnp.take(user_table, user, axis=0)
    movie_vec = jnp.take(movie_table, movie, axis=0)
    x = jnp.concatenate([user_vec, movie_vec], axis=1)
    x = jax.nn.relu(x @ W1.T + b1)
    x = x @ W2.T + b2
    return jnp.squeeze(x)

if __name__ == "__main__":
    import jax
    _d = setup_inputs()
    print(jax.jit(kernel)(*tuple(_d.values())))

</pallas_src>

<mosaic_0001>
#map = affine_map<(d0, d1) -> (0)>
#map1 = affine_map<(d0, d1) -> (0, 0)>
module attributes {stable_mosaic.version = 14 : i64} {
  func.func @_sc_gather_body(%arg0: i32, %arg1: i32, %arg2: memref<16384xi32, #tpu.memory_space<hbm>>, %arg3: memref<16384xi32, #tpu.memory_space<hbm>>, %arg4: memref<100001x128xf32, #tpu.memory_space<hbm>>, %arg5: memref<16384x128xf32, #tpu.memory_space<hbm>>, %arg6: memref<512xi32, #tpu.memory_space<vmem>>, %arg7: memref<512xi32, #tpu.memory_space<vmem>>, %arg8: memref<256x128xf32, #tpu.memory_space<vmem>>, %arg9: memref<256x128xf32, #tpu.memory_space<vmem>>, %arg10: memref<!tpu.dma_semaphore, #tpu.memory_space<semaphore_mem>>, %arg11: memref<!tpu.dma_semaphore, #tpu.memory_space<semaphore_mem>>) attributes {dimension_semantics = [#tpu.dimension_semantics<core_parallel>, #tpu.dimension_semantics<subcore_parallel>], iteration_bounds = array<i64: 2, 16>, scalar_prefetch = 0 : i64, scratch_operands = 6 : i64, tpu.core_type = #tpu.core_type<sc_vector_subcore>, window_params = [{transform_indices = #map}, {transform_indices = #map}, {transform_indices = #map1}, {transform_indices = #map1}]} {
    %mul3A = arith.constant 2 : i32
    %mul3A_0 = arith.muli %arg1, %mul3A : i32
    %add3A = arith.addi %mul3A_0, %arg0 : i32
    %mul3A_1 = arith.constant 512 : i32
    %mul3A_2 = arith.muli %add3A, %mul3A_1 : i32
    "tpu.region"() ({
      %run_scoped3A = tpu.sem_alloc : memref<!tpu.dma_semaphore, #tpu.memory_space<semaphore_mem>>
      %dma_start3A_58 = tpu.memref_slice %arg2[%mul3A_2] : memref<16384xi32, #tpu.memory_space<hbm>> -> memref<512xi32, #tpu.memory_space<hbm>>
      %dma_start3A_59 = tpu.memref_slice %arg2[%mul3A_2] : memref<16384xi32, #tpu.memory_space<hbm>> -> memref<512xi32, #tpu.memory_space<hbm>>
      tpu.enqueue_dma source(%dma_start3A_59 : memref<512xi32, #tpu.memory_space<hbm>>) target(%arg6 : memref<512xi32, #tpu.memory_space<vmem>>) target_semaphore(%run_scoped3A : memref<!tpu.dma_semaphore, #tpu.memory_space<semaphore_mem>>)
      %dma_wait3A_60 = tpu.memref_slice %arg2[%mul3A_2] : memref<16384xi32, #tpu.memory_space<hbm>> -> memref<512xi32, #tpu.memory_space<hbm>>
      %dma_wait3A_61 = tpu.memref_slice %arg2[%mul3A_2] : memref<16384xi32, #tpu.memory_space<hbm>> -> memref<512xi32, #tpu.memory_space<hbm>>
      tpu.wait_dma2 semaphore(%run_scoped3A : memref<!tpu.dma_semaphore, #tpu.memory_space<semaphore_mem>>) src(%dma_wait3A_61 : memref<512xi32, #tpu.memory_space<hbm>>) dst(%arg6 : memref<512xi32, #tpu.memory_space<vmem>>)
      tpu.yield
    }) : () -> ()
    "tpu.region"() ({
      %run_scoped3A = tpu.sem_alloc : memref<!tpu.dma_semaphore, #tpu.memory_space<semaphore_mem>>
      %dma_start3A_58 = tpu.memref_slice %arg3[%mul3A_2] : memref<16384xi32, #tpu.memory_space<hbm>> -> memref<512xi32, #tpu.memory_space<hbm>>
      %dma_start3A_59 = tpu.memref_slice %arg3[%mul3A_2] : memref<16384xi32, #tpu.memory_space<hbm>> -> memref<512xi32, #tpu.memory_space<hbm>>
      tpu.enqueue_dma source(%dma_start3A_59 : memref<512xi32, #tpu.memory_space<hbm>>) target(%arg7 : memref<512xi32, #tpu.memory_space<vmem>>) target_semaphore(%run_scoped3A : memref<!tpu.dma_semaphore, #tpu.memory_space<semaphore_mem>>)
      %dma_wait3A_60 = tpu.memref_slice %arg3[%mul3A_2] : memref<16384xi32, #tpu.memory_space<hbm>> -> memref<512xi32, #tpu.memory_space<hbm>>
      %dma_wait3A_61 = tpu.memref_slice %arg3[%mul3A_2] : memref<16384xi32, #tpu.memory_space<hbm>> -> memref<512xi32, #tpu.memory_space<hbm>>
      tpu.wait_dma2 semaphore(%run_scoped3A : memref<!tpu.dma_semaphore, #tpu.memory_space<semaphore_mem>>) src(%dma_wait3A_61 : memref<512xi32, #tpu.memory_space<hbm>>) dst(%arg7 : memref<512xi32, #tpu.memory_space<vmem>>)
      tpu.yield
    }) : () -> ()
    %dma_start3A = arith.constant 0 : i32
    %dma_start3A_3 = tpu.memref_slice %arg6[%dma_start3A] : memref<512xi32, #tpu.memory_space<vmem>> -> memref<256xi32, #tpu.memory_space<vmem>>
    %dma_start3A_4 = arith.constant 0 : i32
    %dma_start3A_5 = arith.constant 0 : i32
    %dma_start3A_6 = tpu.memref_slice %arg4[%dma_start3A_4, %dma_start3A_5] : memref<100001x128xf32, #tpu.memory_space<hbm>> -> memref<100001x128xf32, #tpu.memory_space<hbm>>
    tpu.enqueue_indirect_dma source(%dma_start3A_6 : memref<100001x128xf32, #tpu.memory_space<hbm>>) target(%arg8 : memref<256x128xf32, #tpu.memory_space<vmem>>) offsets(%dma_start3A_3 : memref<256xi32, #tpu.memory_space<vmem>>) semaphore(%arg10 : memref<!tpu.dma_semaphore, #tpu.memory_space<semaphore_mem>>)
    %dma_start3A_7 = arith.constant 0 : i32
    %dma_start3A_8 = tpu.memref_slice %arg7[%dma_start3A_7] : memref<512xi32, #tpu.memory_space<vmem>> -> memref<256xi32, #tpu.memory_space<vmem>>
    %dma_start3A_9 = arith.constant 0 : i32
    %dma_start3A_10 = arith.constant 0 : i32
    %dma_start3A_11 = tpu.memref_slice %arg4[%dma_start3A_9, %dma_start3A_10] : memref<100001x128xf32, #tpu.memory_space<hbm>> -> memref<100001x128xf32, #tpu.memory_space<hbm>>
    tpu.enqueue_indirect_dma source(%dma_start3A_11 : memref<100001x128xf32, #tpu.memory_space<hbm>>) target(%arg9 : memref<256x128xf32, #tpu.memory_space<vmem>>) offsets(%dma_start3A_8 : memref<256xi32, #tpu.memory_space<vmem>>) semaphore(%arg11 : memref<!tpu.dma_semaphore, #tpu.memory_space<semaphore_mem>>)
    %dma_wait3A = arith.constant 0 : i32
    %dma_wait3A_12 = tpu.memref_slice %arg6[%dma_wait3A] : memref<512xi32, #tpu.memory_space<vmem>> -> memref<256xi32, #tpu.memory_space<vmem>>
    %dma_wait3A_13 = arith.constant 0 : i32
    %dma_wait3A_14 = arith.constant 0 : i32
    %dma_wait3A_15 = tpu.memref_slice %arg4[%dma_wait3A_13, %dma_wait3A_14] : memref<100001x128xf32, #tpu.memory_space<hbm>> -> memref<100001x128xf32, #tpu.memory_space<hbm>>
    tpu.wait_indirect_dma semaphore(%arg10 : memref<!tpu.dma_semaphore, #tpu.memory_space<semaphore_mem>>) src(%dma_wait3A_15 : memref<100001x128xf32, #tpu.memory_space<hbm>>) dst(%arg8 : memref<256x128xf32, #tpu.memory_space<vmem>>)
    %dma_wait3A_16 = arith.constant 0 : i32
    %dma_wait3A_17 = tpu.memref_slice %arg7[%dma_wait3A_16] : memref<512xi32, #tpu.memory_space<vmem>> -> memref<256xi32, #tpu.memory_space<vmem>>
    %dma_wait3A_18 = arith.constant 0 : i32
    %dma_wait3A_19 = arith.constant 0 : i32
    %dma_wait3A_20 = tpu.memref_slice %arg4[%dma_wait3A_18, %dma_wait3A_19] : memref<100001x128xf32, #tpu.memory_space<hbm>> -> memref<100001x128xf32, #tpu.memory_space<hbm>>
    tpu.wait_indirect_dma semaphore(%arg11 : memref<!tpu.dma_semaphore, #tpu.memory_space<semaphore_mem>>) src(%dma_wait3A_20 : memref<100001x128xf32, #tpu.memory_space<hbm>>) dst(%arg9 : memref<256x128xf32, #tpu.memory_space<vmem>>)
    %scan3A = arith.constant 0 : i32
    %scan3A_21 = arith.constant 0 : i32
    %scan3A_22 = arith.constant 256 : i32
    %scan3A_23 = arith.addi %scan3A_21, %scan3A_22 : i32
    %scan3A_24 = arith.constant 1 : i32
    %scan3A_25 = scf.for %scan3A_58 = %scan3A_21 to %scan3A_23 step %scan3A_24 iter_args(%scan3A_59 = %scan3A) -> (i32)  : i32 {
      %get3A = arith.index_cast %scan3A_58 : i32 to index
      %get3A_60 = arith.constant 64 : index
      %get3A_61 = tpu.vector_load %arg9[%get3A, %get3A_60] {strides = array<i32>} : memref<256x128xf32, #tpu.memory_space<vmem>>, vector<1x16xf32>,
      %get3A_62 = vector.shape_cast %get3A_61 : vector<1x16xf32> to vector<16xf32>
      %swap3A = arith.index_cast %scan3A_58 : i32 to index
      %swap3A_63 = arith.constant 64 : index
      %swap3A_64 = tpu.vector_load %arg8[%swap3A, %swap3A_63] {strides = array<i32>} : memref<256x128xf32, #tpu.memory_space<vmem>>, vector<1x16xf32>,
      %swap3A_65 = vector.shape_cast %swap3A_64 : vector<1x16xf32> to vector<16xf32>
      %swap3A_66 = vector.shape_cast %get3A_62 : vector<16xf32> to vector<1x16xf32>
      tpu.vector_store %arg8[%swap3A, %swap3A_63], %swap3A_66 {strides = array<i32>} : memref<256x128xf32, #tpu.memory_space<vmem>>, vector<1x16xf32>,
      %get3A_67 = arith.index_cast %scan3A_58 : i32 to index
      %get3A_68 = arith.constant 80 : index
      %get3A_69 = tpu.vector_load %arg9[%get3A_67, %get3A_68] {strides = array<i32>} : memref<256x128xf32, #tpu.memory_space<vmem>>, vector<1x16xf32>,
      %get3A_70 = vector.shape_cast %get3A_69 : vector<1x16xf32> to vector<16xf32>
      %swap3A_71 = arith.index_cast %scan3A_58 : i32 to index
      %swap3A_72 = arith.constant 80 : index
      %swap3A_73 = tpu.vector_load %arg8[%swap3A_71, %swap3A_72] {strides = array<i32>} : memref<256x128xf32, #tpu.memory_space<vmem>>, vector<1x16xf32>,
      %swap3A_74 = vector.shape_cast %swap3A_73 : vector<1x16xf32> to vector<16xf32>
      %swap3A_75 = vector.shape_cast %get3A_70 : vector<16xf32> to vector<1x16xf32>
      tpu.vector_store %arg8[%swap3A_71, %swap3A_72], %swap3A_75 {strides = array<i32>} : memref<256x128xf32, #tpu.memory_space<vmem>>, vector<1x16xf32>,
      %get3A_76 = arith.index_cast %scan3A_58 : i32 to index
      %get3A_77 = arith.constant 96 : index
      %get3A_78 = tpu.vector_load %arg9[%get3A_76, %get3A_77] {strides = array<i32>} : memref<256x128xf32, #tpu.memory_space<vmem>>, vector<1x16xf32>,
      %get3A_79 = vector.shape_cast %get3A_78 : vector<1x16xf32> to vector<16xf32>
      %swap3A_80 = arith.index_cast %scan3A_58 : i32 to index
      %swap3A_81 = arith.constant 96 : index
      %swap3A_82 = tpu.vector_load %arg8[%swap3A_80, %swap3A_81] {strides = array<i32>} : memref<256x128xf32, #tpu.memory_space<vmem>>, vector<1x16xf32>,
      %swap3A_83 = vector.shape_cast %swap3A_82 : vector<1x16xf32> to vector<16xf32>
      %swap3A_84 = vector.shape_cast %get3A_79 : vector<16xf32> to vector<1x16xf32>
      tpu.vector_store %arg8[%swap3A_80, %swap3A_81], %swap3A_84 {strides = array<i32>} : memref<256x128xf32, #tpu.memory_space<vmem>>, vector<1x16xf32>,
      %get3A_85 = arith.index_cast %scan3A_58 : i32 to index
      %get3A_86 = arith.constant 112 : index
      %get3A_87 = tpu.vector_load %arg9[%get3A_85, %get3A_86] {strides = array<i32>} : memref<256x128xf32, #tpu.memory_space<vmem>>, vector<1x16xf32>,
      %get3A_88 = vector.shape_cast %get3A_87 : vector<1x16xf32> to vector<16xf32>
      %swap3A_89 = arith.index_cast %scan3A_58 : i32 to index
      %swap3A_90 = arith.constant 112 : index
      %swap3A_91 = tpu.vector_load %arg8[%swap3A_89, %swap3A_90] {strides = array<i32>} : memref<256x128xf32, #tpu.memory_space<vmem>>, vector<1x16xf32>,
      %swap3A_92 = vector.shape_cast %swap3A_91 : vector<1x16xf32> to vector<16xf32>
      %swap3A_93 = vector.shape_cast %get3A_88 : vector<16xf32> to vector<1x16xf32>
      tpu.vector_store %arg8[%swap3A_89, %swap3A_90], %swap3A_93 {strides = array<i32>} : memref<256x128xf32, #tpu.memory_space<vmem>>, vector<1x16xf32>,
      %scan3A_94 = arith.constant 0 : i32
      scf.yield %scan3A_94 : i32
    }
    %scan3A_26 = arith.constant 256 : i32
    %add3A_27 = arith.constant 0 : i32
    %add3A_28 = arith.addi %mul3A_2, %add3A_27 : i32
    "tpu.region"() ({
      %run_scoped3A = tpu.sem_alloc : memref<!tpu.dma_semaphore, #tpu.memory_space<semaphore_mem>>
      %dma_start3A_58 = arith.constant 0 : i32
      %dma_start3A_59 = tpu.memref_slice %arg5[%add3A_28, %dma_start3A_58] : memref<16384x128xf32, #tpu.memory_space<hbm>> -> memref<256x128xf32, #tpu.memory_space<hbm>>
      %dma_start3A_60 = arith.constant 0 : i32
      %dma_start3A_61 = tpu.memref_slice %arg5[%add3A_28, %dma_start3A_60] : memref<16384x128xf32, #tpu.memory_space<hbm>> -> memref<256x128xf32, #tpu.memory_space<hbm>>
      tpu.enqueue_dma source(%arg8 : memref<256x128xf32, #tpu.memory_space<vmem>>) target(%dma_start3A_61 : memref<256x128xf32, #tpu.memory_space<hbm>>) target_semaphore(%run_scoped3A : memref<!tpu.dma_semaphore, #tpu.memory_space<semaphore_mem>>)
      %dma_wait3A_62 = arith.constant 0 : i32
      %dma_wait3A_63 = tpu.memref_slice %arg5[%add3A_28, %dma_wait3A_62] : memref<16384x128xf32, #tpu.memory_space<hbm>> -> memref<256x128xf32, #tpu.memory_space<hbm>>
      %dma_wait3A_64 = arith.constant 0 : i32
      %dma_wait3A_65 = tpu.memref_slice %arg5[%add3A_28, %dma_wait3A_64] : memref<16384x128xf32, #tpu.memory_space<hbm>> -> memref<256x128xf32, #tpu.memory_space<hbm>>
      tpu.wait_dma2 semaphore(%run_scoped3A : memref<!tpu.dma_semaphore, #tpu.memory_space<semaphore_mem>>) src(%arg8 : memref<256x128xf32, #tpu.memory_space<vmem>>) dst(%dma_wait3A_65 : memref<256x128xf32, #tpu.memory_space<hbm>>)
      tpu.yield
    }) : () -> ()
    %dma_start3A_29 = arith.constant 256 : i32
    %dma_start3A_30 = tpu.memref_slice %arg6[%dma_start3A_29] : memref<512xi32, #tpu.memory_space<vmem>> -> memref<256xi32, #tpu.memory_space<vmem>>
    %dma_start3A_31 = arith.constant 0 : i32
    %dma_start3A_32 = arith.constant 0 : i32
    %dma_start3A_33 = tpu.memref_slice %arg4[%dma_start3A_31, %dma_start3A_32] : memref<100001x128xf32, #tpu.memory_space<hbm>> -> memref<100001x128xf32, #tpu.memory_space<hbm>>
    tpu.enqueue_indirect_dma source(%dma_start3A_33 : memref<100001x128xf32, #tpu.memory_space<hbm>>) target(%arg8 : memref<256x128xf32, #tpu.memory_space<vmem>>) offsets(%dma_start3A_30 : memref<256xi32, #tpu.memory_space<vmem>>) semaphore(%arg10 : memref<!tpu.dma_semaphore, #tpu.memory_space<semaphore_mem>>)
    %dma_start3A_34 = arith.constant 256 : i32
    %dma_start3A_35 = tpu.memref_slice %arg7[%dma_start3A_34] : memref<512xi32, #tpu.memory_space<vmem>> -> memref<256xi32, #tpu.memory_space<vmem>>
    %dma_start3A_36 = arith.constant 0 : i32
    %dma_start3A_37 = arith.constant 0 : i32
    %dma_start3A_38 = tpu.memref_slice %arg4[%dma_start3A_36, %dma_start3A_37] : memref<100001x128xf32, #tpu.memory_space<hbm>> -> memref<100001x128xf32, #tpu.memory_space<hbm>>
    tpu.enqueue_indirect_dma source(%dma_start3A_38 : memref<100001x128xf32, #tpu.memory_space<hbm>>) target(%arg9 : memref<256x128xf32, #tpu.memory_space<vmem>>) offsets(%dma_start3A_35 : memref<256xi32, #tpu.memory_space<vmem>>) semaphore(%arg11 : memref<!tpu.dma_semaphore, #tpu.memory_space<semaphore_mem>>)
    %dma_wait3A_39 = arith.constant 256 : i32
    %dma_wait3A_40 = tpu.memref_slice %arg6[%dma_wait3A_39] : memref<512xi32, #tpu.memory_space<vmem>> -> memref<256xi32, #tpu.memory_space<vmem>>
    %dma_wait3A_41 = arith.constant 0 : i32
    %dma_wait3A_42 = arith.constant 0 : i32
    %dma_wait3A_43 = tpu.memref_slice %arg4[%dma_wait3A_41, %dma_wait3A_42] : memref<100001x128xf32, #tpu.memory_space<hbm>> -> memref<100001x128xf32, #tpu.memory_space<hbm>>
    tpu.wait_indirect_dma semaphore(%arg10 : memref<!tpu.dma_semaphore, #tpu.memory_space<semaphore_mem>>) src(%dma_wait3A_43 : memref<100001x128xf32, #tpu.memory_space<hbm>>) dst(%arg8 : memref<256x128xf32, #tpu.memory_space<vmem>>)
    %dma_wait3A_44 = arith.constant 256 : i32
    %dma_wait3A_45 = tpu.memref_slice %arg7[%dma_wait3A_44] : memref<512xi32, #tpu.memory_space<vmem>> -> memref<256xi32, #tpu.memory_space<vmem>>
    %dma_wait3A_46 = arith.constant 0 : i32
    %dma_wait3A_47 = arith.constant 0 : i32
    %dma_wait3A_48 = tpu.memref_slice %arg4[%dma_wait3A_46, %dma_wait3A_47] : memref<100001x128xf32, #tpu.memory_space<hbm>> -> memref<100001x128xf32, #tpu.memory_space<hbm>>
    tpu.wait_indirect_dma semaphore(%arg11 : memref<!tpu.dma_semaphore, #tpu.memory_space<semaphore_mem>>) src(%dma_wait3A_48 : memref<100001x128xf32, #tpu.memory_space<hbm>>) dst(%arg9 : memref<256x128xf32, #tpu.memory_space<vmem>>)
    %scan3A_49 = arith.constant 0 : i32
    %scan3A_50 = arith.constant 0 : i32
    %scan3A_51 = arith.constant 256 : i32
    %scan3A_52 = arith.addi %scan3A_50, %scan3A_51 : i32
    %scan3A_53 = arith.constant 1 : i32
    %scan3A_54 = scf.for %scan3A_58 = %scan3A_50 to %scan3A_52 step %scan3A_53 iter_args(%scan3A_59 = %scan3A_49) -> (i32)  : i32 {
      %get3A = arith.index_cast %scan3A_58 : i32 to index
      %get3A_60 = arith.constant 64 : index
      %get3A_61 = tpu.vector_load %arg9[%get3A, %get3A_60] {strides = array<i32>} : memref<256x128xf32, #tpu.memory_space<vmem>>, vector<1x16xf32>,
      %get3A_62 = vector.shape_cast %get3A_61 : vector<1x16xf32> to vector<16xf32>
      %swap3A = arith.index_cast %scan3A_58 : i32 to index
      %swap3A_63 = arith.constant 64 : index
      %swap3A_64 = tpu.vector_load %arg8[%swap3A, %swap3A_63] {strides = array<i32>} : memref<256x128xf32, #tpu.memory_space<vmem>>, vector<1x16xf32>,
      %swap3A_65 = vector.shape_cast %swap3A_64 : vector<1x16xf32> to vector<16xf32>
      %swap3A_66 = vector.shape_cast %get3A_62 : vector<16xf32> to vector<1x16xf32>
      tpu.vector_store %arg8[%swap3A, %swap3A_63], %swap3A_66 {strides = array<i32>} : memref<256x128xf32, #tpu.memory_space<vmem>>, vector<1x16xf32>,
      %get3A_67 = arith.index_cast %scan3A_58 : i32 to index
      %get3A_68 = arith.constant 80 : index
      %get3A_69 = tpu.vector_load %arg9[%get3A_67, %get3A_68] {strides = array<i32>} : memref<256x128xf32, #tpu.memory_space<vmem>>, vector<1x16xf32>,
      %get3A_70 = vector.shape_cast %get3A_69 : vector<1x16xf32> to vector<16xf32>
      %swap3A_71 = arith.index_cast %scan3A_58 : i32 to index
      %swap3A_72 = arith.constant 80 : index
      %swap3A_73 = tpu.vector_load %arg8[%swap3A_71, %swap3A_72] {strides = array<i32>} : memref<256x128xf32, #tpu.memory_space<vmem>>, vector<1x16xf32>,
      %swap3A_74 = vector.shape_cast %swap3A_73 : vector<1x16xf32> to vector<16xf32>
      %swap3A_75 = vector.shape_cast %get3A_70 : vector<16xf32> to vector<1x16xf32>
      tpu.vector_store %arg8[%swap3A_71, %swap3A_72], %swap3A_75 {strides = array<i32>} : memref<256x128xf32, #tpu.memory_space<vmem>>, vector<1x16xf32>,
      %get3A_76 = arith.index_cast %scan3A_58 : i32 to index
      %get3A_77 = arith.constant 96 : index
      %get3A_78 = tpu.vector_load %arg9[%get3A_76, %get3A_77] {strides = array<i32>} : memref<256x128xf32, #tpu.memory_space<vmem>>, vector<1x16xf32>,
      %get3A_79 = vector.shape_cast %get3A_78 : vector<1x16xf32> to vector<16xf32>
      %swap3A_80 = arith.index_cast %scan3A_58 : i32 to index
      %swap3A_81 = arith.constant 96 : index
      %swap3A_82 = tpu.vector_load %arg8[%swap3A_80, %swap3A_81] {strides = array<i32>} : memref<256x128xf32, #tpu.memory_space<vmem>>, vector<1x16xf32>,
      %swap3A_83 = vector.shape_cast %swap3A_82 : vector<1x16xf32> to vector<16xf32>
      %swap3A_84 = vector.shape_cast %get3A_79 : vector<16xf32> to vector<1x16xf32>
      tpu.vector_store %arg8[%swap3A_80, %swap3A_81], %swap3A_84 {strides = array<i32>} : memref<256x128xf32, #tpu.memory_space<vmem>>, vector<1x16xf32>,
      %get3A_85 = arith.index_cast %scan3A_58 : i32 to index
      %get3A_86 = arith.constant 112 : index
      %get3A_87 = tpu.vector_load %arg9[%get3A_85, %get3A_86] {strides = array<i32>} : memref<256x128xf32, #tpu.memory_space<vmem>>, vector<1x16xf32>,
      %get3A_88 = vector.shape_cast %get3A_87 : vector<1x16xf32> to vector<16xf32>
      %swap3A_89 = arith.index_cast %scan3A_58 : i32 to index
      %swap3A_90 = arith.constant 112 : index
      %swap3A_91 = tpu.vector_load %arg8[%swap3A_89, %swap3A_90] {strides = array<i32>} : memref<256x128xf32, #tpu.memory_space<vmem>>, vector<1x16xf32>,
      %swap3A_92 = vector.shape_cast %swap3A_91 : vector<1x16xf32> to vector<16xf32>
      %swap3A_93 = vector.shape_cast %get3A_88 : vector<16xf32> to vector<1x16xf32>
      tpu.vector_store %arg8[%swap3A_89, %swap3A_90], %swap3A_93 {strides = array<i32>} : memref<256x128xf32, #tpu.memory_space<vmem>>, vector<1x16xf32>,
      %scan3A_94 = arith.constant 0 : i32
      scf.yield %scan3A_94 : i32
    }
    %scan3A_55 = arith.constant 256 : i32
    %add3A_56 = arith.constant 256 : i32
    %add3A_57 = arith.addi %mul3A_2, %add3A_56 : i32
    "tpu.region"() ({
      %run_scoped3A = tpu.sem_alloc : memref<!tpu.dma_semaphore, #tpu.memory_space<semaphore_mem>>
      %dma_start3A_58 = arith.constant 0 : i32
      %dma_start3A_59 = tpu.memref_slice %arg5[%add3A_57, %dma_start3A_58] : memref<16384x128xf32, #tpu.memory_space<hbm>> -> memref<256x128xf32, #tpu.memory_space<hbm>>
      %dma_start3A_60 = arith.constant 0 : i32
      %dma_start3A_61 = tpu.memref_slice %arg5[%add3A_57, %dma_start3A_60] : memref<16384x128xf32, #tpu.memory_space<hbm>> -> memref<256x128xf32, #tpu.memory_space<hbm>>
      tpu.enqueue_dma source(%arg8 : memref<256x128xf32, #tpu.memory_space<vmem>>) target(%dma_start3A_61 : memref<256x128xf32, #tpu.memory_space<hbm>>) target_semaphore(%run_scoped3A : memref<!tpu.dma_semaphore, #tpu.memory_space<semaphore_mem>>)
      %dma_wait3A_62 = arith.constant 0 : i32
      %dma_wait3A_63 = tpu.memref_slice %arg5[%add3A_57, %dma_wait3A_62] : memref<16384x128xf32, #tpu.memory_space<hbm>> -> memref<256x128xf32, #tpu.memory_space<hbm>>
      %dma_wait3A_64 = arith.constant 0 : i32
      %dma_wait3A_65 = tpu.memref_slice %arg5[%add3A_57, %dma_wait3A_64] : memref<16384x128xf32, #tpu.memory_space<hbm>> -> memref<256x128xf32, #tpu.memory_space<hbm>>
      tpu.wait_dma2 semaphore(%run_scoped3A : memref<!tpu.dma_semaphore, #tpu.memory_space<semaphore_mem>>) src(%arg8 : memref<256x128xf32, #tpu.memory_space<vmem>>) dst(%dma_wait3A_65 : memref<256x128xf32, #tpu.memory_space<hbm>>)
      tpu.yield
    }) : () -> ()
    return
  }
}

module attributes {stable_mosaic.version = 14 : i64} {
  func.func @_mlp_body(%arg0: i32, %arg1: memref<4096x128xf32, #tpu.memory_space<vmem>>, %arg2: memref<128x128xf32, #tpu.memory_space<vmem>>, %arg3: memref<1x128xf32, #tpu.memory_space<vmem>>, %arg4: memref<1x128xf32, #tpu.memory_space<vmem>>, %arg5: memref<1x1xf32, #tpu.memory_space<vmem>>, %arg6: memref<4096xf32, #tpu.memory_space<vmem>>) attributes {dimension_semantics = [#tpu.dimension_semantics<arbitrary>], iteration_bounds = array<i64: 4>, scalar_prefetch = 0 : i64, scratch_operands = 0 : i64, tpu.core_type = #tpu.core_type<tc>, window_params = [{transform_indices = @transform_0, window_bounds = array<i64: 4096, 128>}, {pipeline_mode = #tpu.pipeline_mode<synchronous>, transform_indices = @transform_1, window_bounds = array<i64: 128, 128>}, {pipeline_mode = #tpu.pipeline_mode<synchronous>, transform_indices = @transform_2, window_bounds = array<i64: 1, 128>}, {pipeline_mode = #tpu.pipeline_mode<synchronous>, transform_indices = @transform_3, window_bounds = array<i64: 1, 128>}, {pipeline_mode = #tpu.pipeline_mode<synchronous>, transform_indices = @transform_4, window_bounds = array<i64: 1, 1>}, {transform_indices = @transform_5, window_bounds = array<i64: 4096>}]} {
    %get3A = arith.constant 0 : index
    %get3A_0 = arith.constant 0 : index
    %get3A_1 = vector.load %arg1[%get3A, %get3A_0] : memref<4096x128xf32, #tpu.memory_space<vmem>>, vector<4096x128xf32>
    %get3A_2 = arith.constant 0 : index
    %get3A_3 = arith.constant 0 : index
    %get3A_4 = vector.load %arg2[%get3A_2, %get3A_3] : memref<128x128xf32, #tpu.memory_space<vmem>>, vector<128x128xf32>
    %dot_general3A = arith.constant dense<0.000000e+00> : vector<4096x128xf32>
    %dot_general3A_5 = tpu.matmul %get3A_1, %get3A_4, %dot_general3A {dimension_numbers = #tpu.dot_dimension_numbers<[1], [1], [0], [0], [0, 0, 1, 0], [], []>, transpose_lhs_hint = false} : vector<4096x128xf32>, vector<128x128xf32>, vector<4096x128xf32> -> vector<4096x128xf32>
    %get3A_6 = arith.constant 0 : index
    %get3A_7 = arith.constant 0 : index
    %get3A_8 = vector.load %arg3[%get3A_6, %get3A_7] : memref<1x128xf32, #tpu.memory_space<vmem>>, vector<1x128xf32>
    %add3A = vector.broadcast %get3A_8 : vector<1x128xf32> to vector<4096x128xf32>
    %add3A_9 = arith.addf %dot_general3A_5, %add3A : vector<4096x128xf32>
    %max3A = arith.constant 0.000000e+00 : f32
    %max3A_10 = vector.broadcast %max3A : f32 to vector<4096x128xf32>
    %max3A_11 = arith.maximumf %add3A_9, %max3A_10 : vector<4096x128xf32>
    %get3A_12 = arith.constant 0 : index
    %get3A_13 = arith.constant 0 : index
    %get3A_14 = vector.load %arg4[%get3A_12, %get3A_13] : memref<1x128xf32, #tpu.memory_space<vmem>>, vector<1x128xf32>
    %mul3A = vector.broadcast %get3A_14 : vector<1x128xf32> to vector<4096x128xf32>
    %mul3A_15 = arith.mulf %max3A_11, %mul3A : vector<4096x128xf32>
    %reduce_sum3A = arith.constant dense<0.000000e+00> : vector<4096xf32>
    %reduce_sum3A_16 = vector.multi_reduction <add>, %mul3A_15, %reduce_sum3A [1] : vector<4096x128xf32> to vector<4096xf32>
    %get3A_17 = arith.constant 0 : index
    %get3A_18 = arith.constant 0 : index
    %get3A_19 = vector.load %arg5[%get3A_17, %get3A_18] : memref<1x1xf32, #tpu.memory_space<vmem>>, vector<1x1xf32>
    %get3A_20 = vector.extract %get3A_19[0, 0] : f32 from vector<1x1xf32>
    %add3A_21 = vector.broadcast %get3A_20 : f32 to vector<4096xf32>
    %add3A_22 = arith.addf %reduce_sum3A_16, %add3A_21 : vector<4096xf32>
    %swap3A = arith.constant 0 : index
    %swap3A_23 = vector.load %arg6[%swap3A] : memref<4096xf32, #tpu.memory_space<vmem>>, vector<4096xf32>
    tpu.vector_store %arg6[%swap3A], %add3A_22 {strides = array<i32>} : memref<4096xf32, #tpu.memory_space<vmem>>, vector<4096xf32>,
    return
  }
  func.func @transform_0(%arg0: i32) -> (i32, i32) {
    %c0_i32 = arith.constant 0 : i32
    %c0_i32_0 = arith.constant 0 : i32
    return %arg0, %c0_i32 : i32, i32
  }
  func.func @transform_1(%arg0: i32) -> (i32, i32) {
    %c0_i32 = arith.constant 0 : i32
    %c0_i32_0 = arith.constant 0 : i32
    %c0_i32_1 = arith.constant 0 : i32
    return %c0_i32, %c0_i32_0 : i32, i32
  }
  func.func @transform_2(%arg0: i32) -> (i32, i32) {
    %c0_i32 = arith.constant 0 : i32
    %c0_i32_0 = arith.constant 0 : i32
    %c0_i32_1 = arith.constant 0 : i32
    return %c0_i32, %c0_i32_0 : i32, i32
  }
  func.func @transform_3(%arg0: i32) -> (i32, i32) {
    %c0_i32 = arith.constant 0 : i32
    %c0_i32_0 = arith.constant 0 : i32
    %c0_i32_1 = arith.constant 0 : i32
    return %c0_i32, %c0_i32_0 : i32, i32
  }
  func.func @transform_4(%arg0: i32) -> (i32, i32) {
    %c0_i32 = arith.constant 0 : i32
    %c0_i32_0 = arith.constant 0 : i32
    %c0_i32_1 = arith.constant 0 : i32
    return %c0_i32, %c0_i32_0 : i32, i32
  }
  func.func @transform_5(%arg0: i32) -> i32 {
    %c0_i32 = arith.constant 0 : i32
    return %arg0 : i32
  }
}

</mosaic_0001>

<sc_bundles>
// kernel: kernel.4.cloned.1.call-start
scs
__scs_entry_jumppad:
0x0: {  	(pc) =	sbr.rel $0x88, $3  }
0x1: {  	(tag) =	ssettag $0x0;
	lr =	simm.s32 $0x1  }
0x2: {  	[smem:$0x3F99] =	sst lr;
	_ =	strace $0xD0000000  }
0x3: {  	_ = 	snop  }
0x4: {  	_ = 	snop  }
0x5: {  	_ = 	snop  }
0x6: {  	_ = 	snop  }
0x7: {  	_ = 	snop  }
__scs_overlays_trampoline_lowered:
0x8: {  	[smem:$0x3FA8] =	sst s0  }
0x9: {  	[smem:$0x3FA9] =	sst s1  }
0xa: {  	[smem:$0x3FAA] =	sst s2  }
0xb: {  	[smem:$0x3FAB] =	sst s3  }
0xc: {  	[smem:$0x3FAC] =	sst s4  }
0xd: {  	[smem:$0x3FAD] =	sst s5  }
0xe: {  	[smem:$0x3FAE] =	sst s6  }
0xf: {  	[smem:$0x3FAF] =	sst s7  }
0x10: {  	[smem:$0x3FB0] =	sst s8  }
0x11: {  	[smem:$0x3FB1] =	sst s9;
	s0 =	simm.s32 @!p0 $0x0  }
0x12: {  	s1 =	sld [smem:$0x3F97];
	s0 =	simm.s32 @p0 $0x1  }
0x13: {  	[smem:$0x3FB2] =	sst s0;
	s0 =	simm.s32 @!p1 $0x0  }
0x14: {  	s2 =	sld [smem:$0x3F96];
	s0 =	simm.s32 @p1 $0x1  }
0x15: {  	[smem:$0x3FB3] =	sst s0;
	s0 =	simm.s32 @!p2 $0x0  }
0x16: {  	s3 =	sld [smem:$0x3FDB];
	s0 =	simm.s32 @p2 $0x1  }
0x17: {  	s4 =	simm.s32 $0x1BF5;
	[smem:$0x3FB5] =	sst s0  }
0x18: {  	s0 =	sld [smem:$0x3F98];
	_ =	swait.ge [sflag:s4], $0x0  }
0x19: {  	s7 =	sld [smem:$0x3F99]  }
0x1a: {  	s8 =	sadd.s32 $0xFFFFE003, lr  }
0x1b: {  	s9 =	sadd.s32 $0xFFFFFEF7, lr;
	s5 =	simm.s32 $0xFFFFFFFF;
	p2 =	slt.u32 s8, $0xFFFFF086  }
0x1c: {  	p1 =	slt.u32 s9, $0xF7A;
	s5 =	simm.s32 @!p2 $0x0  }
0x1d: {  	s5 =	simm.s32 @p1 $0x1;
	p0 =	seq.s32 s7, s2  }
0x1e: {  	s7 =	smul.u32 @!p0 $0xF7A, s2;
	p2 =	seq.s32 @!p0 s5, $0x0  }
0x1f: {  	s9 =	smul.u32 $0xF7A, s1;
	s8 =	simm.s32 @!p0 $0x1BF5;
	p2 =	por !p2, p0  }
0x20: {  	[sflag:s8] =	ssyncset.s32 @!p0 $0xFFFFF086;
	s6 =	sadd.s32 @!p0 s3, s7;
	s7 =	simm.s32 @!p0 $0x108  }
0x21: {  	s3 =	sadd.s32 s3, s9;
	s6 =	sadd.s32 @!p0 $0x88, s6;
	s7 =	simm.s32 @p2 $0x1082  }
0x22: {  	[simem:s7], [sflag:s8] =	dma.local @!p0 [hbm:s6], $0xF7A  }
0x23: {  	s9 =	sor.u32 $0xD0000000, s2;
	s6 =	simm.s32 $0x108;
	_ =	swait.ge @!p0 [sflag:s8], $0x0  }
0x24: {  	s3 =	sadd.s32 $0x88, s3;
	s6 =	simm.s32 @!p1 $0x1082;
	[sflag:s4] =	ssyncset.s32 $0xFFFFF086  }
0x25: {  	[simem:s6], [sflag:s4] =	dma.local [hbm:s3], $0xF7A  }
0x26: {  	[smem:$0x3F99] =	sst s1;
	(tag) =	ssettag s2;
	_ =	strace s9  }
0x27: {  	s1 =	sld [smem:$0x3FA9]  }
0x28: {  	s2 =	sld [smem:$0x3FAA]  }
0x29: {  	s4 =	sld [smem:$0x3FAC]  }
0x2a: {  	p0 =	seq.s32 s5, $0x0;
	s5 =	sld [smem:$0x3FAD]  }
0x2b: {  	s6 =	sld [smem:$0x3FAE]  }
0x2c: {  	s7 =	sld [smem:$0x3FAF]  }
0x2d: {  	s3 =	simm.s32 $0x108;
	s8 =	sld [smem:$0x3FB0]  }
0x2e: {  	s3 =	simm.s32 @!p0 $0x1082;
	s9 =	sld [smem:$0x3FB1]  }
0x2f: {  	lr =	sadd.s32 s0, s3;
	s0 =	sld [smem:$0x3FA8]  }
0x30: {  	s3 =	sld [smem:$0x3FAB]  }
0x31: {  	[smem:$0x3FB4] =	sst s10  }
0x32: {  	s10 =	sld [smem:$0x3FB2];
	_ =	sdelay $0x3  }
0x33: {  	p0 =	seq.s32 s10, $0x1;
	s10 =	sld [smem:$0x3FB4];
	_ =	sdelay $0x3  }
0x34: {  	[smem:$0x3FB4] =	sst s10  }
0x35: {  	s10 =	sld [smem:$0x3FB3];
	_ =	sdelay $0x3  }
0x36: {  	p1 =	seq.s32 s10, $0x1;
	s10 =	sld [smem:$0x3FB4];
	_ =	sdelay $0x3  }
0x37: {  	[smem:$0x3FB4] =	sst s10  }
0x38: {  	s10 =	sld [smem:$0x3FB5]  }
0x39: {  	_ = 	snop;
	(pc) =	sbr.ind lr, $3  }
0x3a: {  	_ = 	snop  }
0x3b: {  	_ = 	snop  }
0x3c: {  	p2 =	seq.s32 s10, $0x1;
	s10 =	sld [smem:$0x3FB4]  }
0x3d: {  	_ =	shalt  }
0x3e: {  	_ =	shalt  }
0x3f: {  	_ =	shalt  }
0x40: {  	_ =	shalt  }
0x41: {  	_ =	shalt  }
0x42: {  	_ =	shalt  }
0x43: {  	_ =	shalt  }
0x44: {  	_ =	shalt  }
0x45: {  	_ =	shalt  }
0x46: {  	_ =	shalt  }
0x47: {  	_ =	shalt  }
0x48: {  	_ =	shalt  }
0x49: {  	_ =	shalt  }
0x4a: {  	_ =	shalt  }
0x4b: {  	_ =	shalt  }
0x4c: {  	_ =	shalt  }
0x4d: {  	_ =	shalt  }
0x4e: {  	_ =	shalt  }
0x4f: {  	_ =	shalt  }
0x50: {  	_ =	shalt  }
0x51: {  	_ =	shalt  }
0x52: {  	_ =	shalt  }
0x53: {  	_ =	shalt  }
0x54: {  	_ =	shalt  }
0x55: {  	_ =	shalt  }
0x56: {  	_ =	shalt  }
0x57: {  	_ =	shalt  }
0x58: {  	_ =	shalt  }
0x59: {  	_ =	shalt  }
0x5a: {  	_ =	shalt  }
0x5b: {  	_ =	shalt  }
0x5c: {  	_ =	shalt  }
0x5d: {  	_ =	shalt  }
0x5e: {  	_ =	shalt  }
0x5f: {  	_ =	shalt  }
0x60: {  	_ =	shalt  }
0x61: {  	_ =	shalt  }
0x62: {  	_ =	shalt  }
0x63: {  	_ =	shalt  }
0x64: {  	_ =	shalt  }
0x65: {  	_ =	shalt  }
0x66: {  	_ =	shalt  }
0x67: {  	_ =	shalt  }
0x68: {  	_ =	shalt  }
0x69: {  	_ =	shalt  }
0x6a: {  	_ =	shalt  }
0x6b: {  	_ =	shalt  }
0x6c: {  	_ =	shalt  }
0x6d: {  	_ =	shalt  }
0x6e: {  	_ =	shalt  }
0x6f: {  	_ =	shalt  }
0x70: {  	_ =	shalt  }
0x71: {  	_ =	shalt  }
0x72: {  	_ =	shalt  }
0x73: {  	_ =	shalt  }
0x74: {  	_ =	shalt  }
0x75: {  	_ =	shalt  }
0x76: {  	_ =	shalt  }
0x77: {  	_ =	shalt  }
0x78: {  	_ =	shalt  }
0x79: {  	_ =	shalt  }
0x7a: {  	_ =	shalt  }
0x7b: {  	_ =	shalt  }
0x7c: {  	_ =	shalt  }
0x7d: {  	_ =	shalt  }
0x7e: {  	_ =	shalt  }
0x7f: {  	_ =	shalt  }
0x80: {  	_ =	shalt  }
0x81: {  	_ =	shalt  }
0x82: {  	_ =	shalt  }
0x83: {  	_ =	shalt  }
0x84: {  	_ =	shalt  }
0x85: {  	_ =	shalt  }
0x86: {  	_ =	shalt  }
0x87: {  	_ =	shalt  }
.Lfunc_end0:
.L_simem_size_0:
called_computation_lowered:
.L_overlay_start_0:
0x88: {  	s2 =	sld [smem:$0x3FD9]  }
0x89: {  	s3 =	sld [smem:$0x3FFE];
	_ =	sdelay $0x1  }
0x8a: {  	s1 =	srdreg.scid  }
0x8b: {  	s0 =	sand.u32 $0x1, s1  }
0x8c: {  	s17 =	sshll.u32 s0, $0xA;
	s2 =	sadd.s32 s3, s2  }
0x8d: {  	s2 =	sadd.s32 s2, s17  }
0x8e: {  	[smem:$0x3FC0] =	sst s2  }
0x8f: {  	_ = 	snop  }
0x90: {  	s2 =	sld [smem:$0x3FC9]  }
0x91: {  	s18 =	sld [smem:$0x3FC8];
	(tm) =	ssettm $0x1  }
0x92: {  	s4 =	sld [smem:$0x3FFB];
	_ =	sdelay $0x3  }
0x93: {  	_ =	strace s4  }
0x94: {  	s4 =	sld [smem:$0x3FFC];
	_ =	sdelay $0x3  }
0x95: {  	_ =	strace s4  }
0x96: {  	s4 =	sld [smem:$0x3FFD];
	_ =	sdelay $0x3  }
0x97: {  	_ =	strace s4  }
0x98: {  	_ =	strace $0x8FFFFFFF  }
0x99: {  	s19 =	sld [smem:$0x3FDB];
	_ =	sdelay $0x1  }
0x9a: {  	s5 =	simm.s32 $_scs_section_size  }
0x9b: {  	s6 =	simm.s32 $_size__tile_overlayer_lowered;
	s7 =	simm.s32 $_tile_overlayer_lowered  }
0x9c: {  	s22 =	simm.s32 $0x1BFF;
	s21 =	sshll.u32 s7, $0x1;
	s4 =	sadd.s32 s5, s19  }
0x9d: {  	s8 =	simm.s32 $0x0;
	s20 =	sshll.u32 s6, $0x1;
	s6 =	sadd.s32 s21, s4  }
0x9e: {  	[timem:s8], [sflag:s22] =	dma.local [hbm:s6], s20  }
0x9f: {  	_ =	swait.ge [sflag:s22], s20  }
0xa0: {  	s5 =	ssub.s32 $0x0, s20;
	[sflag:s22] =	ssyncset.done $0x0  }
0xa1: {  	[sflag:s22] =	ssyncadd.s32 s5;
	_ =	sdelay $0x1  }
0xa2: {  	s23 =	simm.s32 $0x1B8B  }
0xa3: {  	_ =	swait.ge [sflag:s23], $0x1  }
0xa4: {  	[sflag:s23] =	ssyncset.done $0x0  }
0xa5: {  	s25 =	simm.s32 $0x1B8E;
	s24 =	sld [smem:$0x3FFE];
	[sflag:s23] =	ssyncadd.s32 $0xFFFFFFFF  }
0xa6: {  	s26 =	simm.s32 $execute0_lowered;
	[smem:$0x3FD2] =	sst s25  }
0xa7: {  	s6 =	sshll.u32 s26, $0x1;
	_ =	strace $0x80000046;
	[dreg:$0x1] =	wrdreg $0xFFFFFFFF  }
0xa8: {  	s28 =	simm.s32 $_size_execute0_lowered;
	s4 =	sadd.s32 s4, s6;
	[dreg:$0x0] =	wrdreg $0x0  }
0xa9: {  	s6 =	sshll.u32 s28, $0x1;
	[dreg:$0x2] =	wrdreg s4  }
0xaa: {  	[dreg:$0x3] =	wrdreg s6  }
0xab: {  	[dreg:$0x4] =	wrdreg $0xC0  }
0xac: {  	_ =	task [dreg:s8], $0x5FFFF  }
0xad: {  	[dreg:$0x1] =	wrdreg $0xFFFFFFFF  }
0xae: {  	[dreg:$0x0] =	wrdreg $0x60  }
0xaf: {  	[dreg:$0x2] =	wrdreg s2  }
0xb0: {  	[dreg:$0x3] =	wrdreg s18  }
0xb1: {  	[dreg:$0x4] =	wrdreg s24  }
0xb2: {  	[dreg:$0x5] =	wrdreg $0x9  }
0xb3: {  	_ =	task.clear_ibuf [dreg:s8], $0x6FFFF;
	_ =	strace $0x90000046  }
0xb4: {  	s29 =	simm.s32 $0x9;
	_ =	strace $0x80000048  }
0xb5: {  	_ =	swait.ge [sflag:s29], $0x1  }
0xb6: {  	[sflag:s29] =	ssyncadd.s32 $0xFFFFFFFF  }
0xb7: {  	_ =	strace $0x90000048  }
0xb8: {  	_ =	sfence  }
0xb9: {  	s30 =	sld [smem:$0x0];
	_ =	sdelay $0x2  }
0xba: {  	s31 =	sshll.u32 s1, $0xD;
	s1 =	sshrl.u32 s1, $0x2  }
0xbb: {  	s3 =	sand.u32 $0x4000, s31;
	s1 =	sadd.s32 s1, s30  }
0xbc: {  	s0 =	sor.u32 s3, s0;
	s1 =	sshll.u32 s1, $0x11  }
0xbd: {  	s0 =	sor.u32 s1, s0  }
0xbe: {  	s0 =	sadd.s32 $0x8F2B, s0  }
0xbf: {  	[sflag:s0] =	ssyncadd.remote.s32 $0x1  }
0xc0: {  	_ =	sfence.sel $0xFFFF  }
0xc1: {  	[dreg:$0x0] =	wrdreg $0xFFFFFFFF;
	(pc) =	sbr.abs _section_cstart, $3  }
0xc2: {  	[dreg:$0x1] =	wrdreg $0xFFFFFFFF  }
0xc3: {  	_ =	task.clear_ibuf [dreg:s8], $0x2FFFF;
	_ =	strace $0x9FFFFFFF  }
0xc4: {  	(tm) =	ssettm $0x7FFFFFFF  }
0xc5: {  	_ =	shalt  }
tec
execute0_lowered:
.L_overlay_start_1:
0x0: {  	(tag) =	ssettag $0x1  }
0x1: {  	s4 =	rddreg [dreg:$0x0]  }
0x2: {  	s5 =	rddreg [dreg:$0x1]  }
0x3: {  	s6 =	rddreg [dreg:$0x2]  }
0x4: {  	s0 =	rddreg [dreg:$0x3]  }
0x5: {  	s3 =	srdreg.scid;
	s2 =	simm.s32 $0x0;
	s1 =	stileid.u32  }
0x6: {  	s11 =	simm.s32 $0x100;
	s12 =	simm.s32 $0x400;
	s13 =	simm.s32 $0x8400  }
0x7: {  	s14 =	simm.s32 $0x1;
	s15 =	simm.s32 $0x2;
	s16 =	simm.s32 $0x300  }
0x8: {  	s17 =	simm.s32 $0x0;
	s7 =	sand.u32 $0x1, s3;
	[smem:$0x7FF] =	sst s2  }
0x9: {  	s30 =	sshll.u32 s1, $0xA;
	s3 =	sadd.s32 $0x310000, s6;
	s8 =	sshll.u32 s7, $0x9  }
0xa: {  	_ =	strace $0x80000047;
	s7 =	ssub.s32 $0x2, s7;
	s8 =	sor.u32 s8, s30  }
0xb: {  	s31 =	sshrl.u32 s7, $0x1;
	s9 =	sshll.u32 s8, $0x4;
	s8 =	sshrl.u32 s8, $0x3  }
0xc: {  	s10 =	ssub.s32 s7, s31;
	s9 =	sadd.s32 s9, s6;
	s4 =	sadd.s32 s4, s8  }
0xd: {  	s5 =	sadd.s32 s5, s8;
	s8 =	smax.u32 s10, $0x1;
	s10 =	simm.s32 $0x200  }
0xe: {  	s6 =	sadd.s32 $0x2800, s9;
	s7 =	sadd.s32 $0x3800, s9;
	s9 =	simm.s32 $0x3  }
.LBB2_1:
0xf: {  	[tilespmem:s2], [sflag:$0x3] =	stream.linear.gather [hbm4b:s4+s2], $0x200, $0x38;
	[tilespmem:$0x10400] =	vst v63  }
0x10: {  	_ =	swait.ge [sflag:s9], $0x200  }
0x11: {  	[sflag:s9] =	ssyncset.done $0x0  }
0x12: {  	[sflag:s9] =	ssyncadd.s32 $0xFFFFFE00  }
0x13: {  	[tilespmem:s10], [sflag:$0x3] =	stream.linear.gather [hbm4b:s5+s2], $0x200, $0x38;
	[tilespmem:$0x10400] =	vst v63  }
0x14: {  	_ =	swait.ge [sflag:s9], $0x200  }
0x15: {  	[sflag:s9] =	ssyncset.done $0x0  }
0x16: {  	[sflag:s9] =	ssyncadd.s32 $0xFFFFFE00  }
0x17: {  	[tilespmem:s12], [sflag:$0x1] =	stream.indirect.gather [hbm4b:s3+s11], $0x80, s2, s11, $0xb8;
	[tilespmem:$0x10400] =	vst v63  }
0x18: {  	_ = 	snop  }
0x19: {  	[tilespmem:s13], [sflag:$0x2] =	stream.indirect.gather [hbm4b:s3+s11], $0x80, s10, s11, $0xb8;
	[tilespmem:$0x10400] =	vst v63  }
0x1a: {  	_ =	swait.ge [sflag:s14], $0x8000  }
0x1b: {  	[sflag:s14] =	ssyncset.done $0x0  }
0x1c: {  	[sflag:s14] =	ssyncadd.s32 $0xFFFF8000  }
0x1d: {  	_ =	swait.ge [sflag:s15], $0x8000  }
0x1e: {  	[sflag:s15] =	ssyncset.done $0x0  }
0x1f: {  	s18 =	simm.s32 $0x0;
	[sflag:s15] =	ssyncadd.s32 $0xFFFF8000  }
0x20: {  	v0 =	vld [tilespmem:s18+$0x8470]  }
0x21: {  	v1 =	vld [tilespmem:s18+$0x8440]  }
0x22: {  	v2 =	vld [tilespmem:s18+$0x8450]  }
0x23: {  	s19 =	simm.s32 $0x200;
	v3 =	vld [tilespmem:s18+$0x8460]  }
.LBB2_2:
0x24: {  	p0 =	sne.s32 s19, $0x1FE00  }
.Ltmp0:
0x25: {  	s20 =	sshra.s32 s19, $0x2;
	s19 =	sadd.s32 $0x200, s19;
	[tilespmem:s18+$0x470] =	vst v0;
	(pc) =	sbr.rel @p0 .LBB2_2-.Ltmp0, $4  }
0x26: {  	v0 =	vld [tilespmem:s20+$0x8470];
	[tilespmem:s18+$0x440] =	vst v1  }
0x27: {  	v1 =	vld [tilespmem:s20+$0x8440];
	[tilespmem:s18+$0x450] =	vst v2  }
0x28: {  	v2 =	vld [tilespmem:s20+$0x8450];
	[tilespmem:s18+$0x460] =	vst v3;
	s18 =	smov.u32 s20  }
0x29: {  	v3 =	vld [tilespmem:s18+$0x8460]  }
0x2a: {  	_ = 	snop  }
0x2b: {  	[tilespmem:s18+$0x470] =	vst v0  }
0x2c: {  	[tilespmem:s18+$0x440] =	vst v1  }
0x2d: {  	[tilespmem:s18+$0x450] =	vst v2  }
0x2e: {  	s31 =	simm.s32 $0x0;
	[tilespmem:s18+$0x460] =	vst v3  }
0x2f: {  	[hbm4b:s6+s31] =	stream.linear.scatter [tilespmem:s12], [sflag:$0x3], $0x8000, $0x38;
	[tilespmem:$0x10400] =	vst v63  }
0x30: {  	_ =	swait.ge [sflag:s9], $0x8000  }
0x31: {  	[sflag:s9] =	ssyncset.done $0x0  }
0x32: {  	[sflag:s9] =	ssyncadd.s32 $0xFFFF8000  }
0x33: {  	[tilespmem:s12], [sflag:$0x1] =	stream.indirect.gather [hbm4b:s3+s11], $0x80, s11, s11, $0xb8;
	[tilespmem:$0x10400] =	vst v63  }
0x34: {  	_ = 	snop  }
0x35: {  	[tilespmem:s13], [sflag:$0x2] =	stream.indirect.gather [hbm4b:s3+s11], $0x80, s16, s11, $0xb8;
	[tilespmem:$0x10400] =	vst v63  }
0x36: {  	_ =	swait.ge [sflag:s14], $0x8000  }
0x37: {  	[sflag:s14] =	ssyncset.done $0x0  }
0x38: {  	[sflag:s14] =	ssyncadd.s32 $0xFFFF8000  }
0x39: {  	_ =	swait.ge [sflag:s15], $0x8000  }
0x3a: {  	[sflag:s15] =	ssyncset.done $0x0  }
0x3b: {  	s18 =	simm.s32 $0x0;
	[sflag:s15] =	ssyncadd.s32 $0xFFFF8000  }
0x3c: {  	v0 =	vld [tilespmem:s18+$0x8470]  }
0x3d: {  	v1 =	vld [tilespmem:s18+$0x8440]  }
0x3e: {  	v2 =	vld [tilespmem:s18+$0x8450]  }
0x3f: {  	s19 =	simm.s32 $0x200;
	v3 =	vld [tilespmem:s18+$0x8460]  }
.LBB2_4:
0x40: {  	p0 =	sne.s32 s19, $0x1FE00  }
.Ltmp1:
0x41: {  	s20 =	sshra.s32 s19, $0x2;
	s19 =	sadd.s32 $0x200, s19;
	[tilespmem:s18+$0x470] =	vst v0;
	(pc) =	sbr.rel @p0 .LBB2_4-.Ltmp1, $4  }
0x42: {  	v0 =	vld [tilespmem:s20+$0x8470];
	[tilespmem:s18+$0x440] =	vst v1  }
0x43: {  	v1 =	vld [tilespmem:s20+$0x8440];
	[tilespmem:s18+$0x450] =	vst v2  }
0x44: {  	v2 =	vld [tilespmem:s20+$0x8450];
	[tilespmem:s18+$0x460] =	vst v3;
	s18 =	smov.u32 s20  }
0x45: {  	v3 =	vld [tilespmem:s18+$0x8460]  }
0x46: {  	_ = 	snop  }
0x47: {  	[tilespmem:s18+$0x470] =	vst v0  }
0x48: {  	s17 =	sadd.s32 $0x1, s17;
	[tilespmem:s18+$0x440] =	vst v1  }
0x49: {  	p0 =	sne.s32 s17, s8;
	[tilespmem:s18+$0x450] =	vst v2  }
.Ltmp2:
0x4a: {  	[tilespmem:s18+$0x460] =	vst v3;
	(pc) =	sbr.rel @p0 .LBB2_1-.Ltmp2, $4  }
0x4b: {  	[hbm4b:s7+s2] =	stream.linear.scatter [tilespmem:s12], [sflag:$0x3], $0x8000, $0x38;
	[tilespmem:$0x10400] =	vst v63  }
0x4c: {  	_ =	swait.ge [sflag:s9], $0x8000  }
0x4d: {  	[sflag:s9] =	ssyncset.done $0x0  }
0x4e: {  	[sflag:s9] =	ssyncadd.s32 $0xFFFF8000  }
0x4f: {  	_ =	sfence.sel $0x180000  }
0x50: {  	[bflag:$0x0] =	sbarrier.arrive $0xFFFF  }
0x51: {  	p0 =	sne.s32 s1, $0x0;
	_ =	strace $0x90000047  }
0x52: {  	s0 =	sadd.s32 @!p0 $0x100000, s0;
	[bflag:$0x2] =	sbarrier.arrive $0xFFFF  }
0x53: {  	[sflag:s0] =	ssyncadd.tile.s32 @!p0 $0x1;
	_ =	shalt  }
.Lfunc_end2:
_tile_overlayer_lowered:
.L_overlay_start_2:
0x54: {  	(tag) =	ssettag $0x2  }
0x55: {  	s0 =	rddreg [dreg:$0x0];
	s2 =	stileid.u32  }
0x56: {  	s1 =	rddreg [dreg:$0x1];
	p0 =	sne.s32 s2, $0x0  }
0x57: {  	s3 =	rddreg [dreg:$0x2];
	[bflag:$0x3] =	sbarrier.arrive $0xFFFF;
	s2 =	simm.s32 @!p0 $0x1C03  }
0x58: {  	[timem:s3], [sflag:s2] =	dma.local @!p0 [hbm:s0], s1  }
0x59: {  	s0 =	simm.s32 @!p0 $0x3  }
0x5a: {  	_ =	swait.ge @!p0 [sflag:s0], s1  }
0x5b: {  	s1 =	ssub.s32 @!p0 $0x0, s1;
	[sflag:s0] =	ssyncset.done @!p0 $0x0  }
0x5c: {  	[sflag:s0] =	ssyncadd.s32 @!p0 s1  }
0x5d: {  	[bflag:$0x3] =	sbarrier.arrive $0xFFFF  }
0x5e: {  	_ =	shalt  }

</sc_bundles>
